<compile_context>
chip_gen: v7x
topology: tpu7x:2x2x1
jax: 0.10.2.dev20260603
libtpu: 0.0.44.dev20260713+nightly
codegen_flags: <defaults>
</compile_context>

<pallas_src>
import functools

import jax
import jax.numpy as jnp
from jax import lax
from jax.experimental import pallas as pl
from jax.experimental.pallas import tpu as pltpu
from jax.experimental.pallas import tpu_sc as plsc

_ROWS = 257
_D = 128
_RPW = 16
_H = 8

_mesh = plsc.VectorSubcoreMesh(core_axis_name="c", subcore_axis_name="s", num_cores=1)


@functools.partial(
    pl.kernel,
    mesh=_mesh,
    out_type=jax.ShapeDtypeStruct((_ROWS, _D), jnp.float32),
    scratch_types=[
        pltpu.VMEM((_RPW + 1, _D), jnp.float32),
        pltpu.SemaphoreType.DMA,
        pltpu.SemaphoreType.DMA,
        pltpu.SemaphoreType.DMA,
        pltpu.SemaphoreType.DMA,
        pltpu.SemaphoreType.DMA,
        pltpu.SemaphoreType.DMA,
    ],
)
def _lookup(table_hbm, out_hbm, buf, s1, s2, s3, s4, s5, s6):
    wid = lax.axis_index("s")
    base = wid * _RPW

    def _halves():
        in0 = pltpu.async_copy(
            table_hbm.at[pl.ds(base, _H)], buf.at[pl.ds(0, _H)], s1)
        in1 = pltpu.async_copy(
            table_hbm.at[pl.ds(base + _H, _H)], buf.at[pl.ds(_H, _H)], s2)
        in0.wait()
        out0 = pltpu.async_copy(
            buf.at[pl.ds(0, _H)], out_hbm.at[pl.ds(base, _H)], s3)
        in1.wait()
        out1 = pltpu.async_copy(
            buf.at[pl.ds(_H, _H)], out_hbm.at[pl.ds(base + _H, _H)], s4)
        return out0, out1

    @pl.when(wid == 0)
    def _tile0():
        tin = pltpu.async_copy(
            table_hbm.at[pl.ds(256, 1)], buf.at[pl.ds(_RPW, 1)], s5)
        out0, out1 = _halves()
        tin.wait()
        tout = pltpu.async_copy(
            buf.at[pl.ds(_RPW, 1)], out_hbm.at[pl.ds(256, 1)], s6)
        out0.wait()
        out1.wait()
        tout.wait()

    @pl.when(wid > 0)
    def _rest():
        out0, out1 = _halves()
        out0.wait()
        out1.wait()


def kernel(seq_len, table):
    del seq_len
    return _lookup(table)

# --- scband reference (transcript-rebuilt; emitter-appended) ---
"""Pipeline reference for scband-shaw-relative-position-56573309223609 (READ-ONLY COPY).

The authoritative reference and input builder live on the scoring server;
editing this copy changes nothing except your own understanding.
"""

import jax, jax.numpy as jnp
import numpy as np

MAX_DISTANCE = 128
HEAD_DIM = 128


def setup_inputs(seed: int = 0) -> dict:
    key = jax.random.key(seed)
    table = jax.random.normal(key, (2 * MAX_DISTANCE + 1, HEAD_DIM), dtype=jnp.float32) * 0.02
    return {"seq_len": 8192, "table": table}


def reference(seq_len, table):
    # position_ids = arange(-max_distance, max_distance+1)
    position_ids = jnp.arange(-MAX_DISTANCE, MAX_DISTANCE + 1)
    # embedding lookup: table[position_ids + max_distance]
    return jnp.take(table, position_ids + MAX_DISTANCE, axis=0)

if __name__ == "__main__":
    import jax
    _d = setup_inputs()
    print(jax.jit(kernel)(*tuple(_d.values())))

</pallas_src>

<mosaic_0001>
#map = affine_map<(d0, d1) -> (0, 0)>
module attributes {stable_mosaic.version = 14 : i64} {
  func.func @_lookup(%arg0: i32, %arg1: i32, %arg2: memref<257x128xf32, #tpu.memory_space<hbm>>, %arg3: memref<257x128xf32, #tpu.memory_space<hbm>>, %arg4: memref<17x128xf32, #tpu.memory_space<vmem>>, %arg5: memref<!tpu.dma_semaphore, #tpu.memory_space<semaphore_mem>>, %arg6: memref<!tpu.dma_semaphore, #tpu.memory_space<semaphore_mem>>, %arg7: memref<!tpu.dma_semaphore, #tpu.memory_space<semaphore_mem>>, %arg8: memref<!tpu.dma_semaphore, #tpu.memory_space<semaphore_mem>>, %arg9: memref<!tpu.dma_semaphore, #tpu.memory_space<semaphore_mem>>, %arg10: memref<!tpu.dma_semaphore, #tpu.memory_space<semaphore_mem>>) attributes {dimension_semantics = [#tpu.dimension_semantics<core_parallel>, #tpu.dimension_semantics<subcore_parallel>], iteration_bounds = array<i64: 1, 16>, scalar_prefetch = 0 : i64, scratch_operands = 7 : i64, tpu.core_type = #tpu.core_type<sc_vector_subcore>, window_params = [{transform_indices = #map}, {transform_indices = #map}]} {
    %mul3A = arith.constant 16 : i32
    %mul3A_0 = arith.muli %arg1, %mul3A : i32
    %eq3A = arith.constant 0 : i32
    %eq3A_1 = arith.cmpi eq, %arg1, %eq3A : i32
    %convert_element_type3A = arith.extui %eq3A_1 : i1 to i32
    %cond3A = arith.constant 0 : i32
    %cond3A_2 = arith.cmpi ne, %convert_element_type3A, %cond3A : i32
    scf.if %cond3A_2 {
      %dma_start3A = arith.constant 16 : i32
      %dma_start3A_7 = arith.constant 0 : i32
      %dma_start3A_8 = tpu.memref_slice %arg4[%dma_start3A, %dma_start3A_7] : memref<17x128xf32, #tpu.memory_space<vmem>> -> memref<1x128xf32, #tpu.memory_space<vmem>>
      %dma_start3A_9 = arith.constant 256 : i32
      %dma_start3A_10 = arith.constant 0 : i32
      %dma_start3A_11 = tpu.memref_slice %arg2[%dma_start3A_9, %dma_start3A_10] : memref<257x128xf32, #tpu.memory_space<hbm>> -> memref<1x128xf32, #tpu.memory_space<hbm>>
      %dma_start3A_12 = arith.constant 16 : i32
      %dma_start3A_13 = arith.constant 0 : i32
      %dma_start3A_14 = tpu.memref_slice %arg4[%dma_start3A_12, %dma_start3A_13] : memref<17x128xf32, #tpu.memory_space<vmem>> -> memref<1x128xf32, #tpu.memory_space<vmem>>
      %dma_start3A_15 = arith.constant 256 : i32
      %dma_start3A_16 = arith.constant 0 : i32
      %dma_start3A_17 = tpu.memref_slice %arg2[%dma_start3A_15, %dma_start3A_16] : memref<257x128xf32, #tpu.memory_space<hbm>> -> memref<1x128xf32, #tpu.memory_space<hbm>>
      tpu.enqueue_dma source(%dma_start3A_17 : memref<1x128xf32, #tpu.memory_space<hbm>>) target(%dma_start3A_14 : memref<1x128xf32, #tpu.memory_space<vmem>>) target_semaphore(%arg9 : memref<!tpu.dma_semaphore, #tpu.memory_space<semaphore_mem>>)
      %dma_start3A_18 = arith.constant 0 : i32
      %dma_start3A_19 = arith.constant 0 : i32
      %dma_start3A_20 = tpu.memref_slice %arg4[%dma_start3A_18, %dma_start3A_19] : memref<17x128xf32, #tpu.memory_space<vmem>> -> memref<8x128xf32, #tpu.memory_space<vmem>>
      %dma_start3A_21 = arith.constant 0 : i32
      %dma_start3A_22 = tpu.memref_slice %arg2[%mul3A_0, %dma_start3A_21] : memref<257x128xf32, #tpu.memory_space<hbm>> -> memref<8x128xf32, #tpu.memory_space<hbm>>
      %dma_start3A_23 = arith.constant 0 : i32
      %dma_start3A_24 = arith.constant 0 : i32
      %dma_start3A_25 = tpu.memref_slice %arg4[%dma_start3A_23, %dma_start3A_24] : memref<17x128xf32, #tpu.memory_space<vmem>> -> memref<8x128xf32, #tpu.memory_space<vmem>>
      %dma_start3A_26 = arith.constant 0 : i32
      %dma_start3A_27 = tpu.memref_slice %arg2[%mul3A_0, %dma_start3A_26] : memref<257x128xf32, #tpu.memory_space<hbm>> -> memref<8x128xf32, #tpu.memory_space<hbm>>
      tpu.enqueue_dma source(%dma_start3A_27 : memref<8x128xf32, #tpu.memory_space<hbm>>) target(%dma_start3A_25 : memref<8x128xf32, #tpu.memory_space<vmem>>) target_semaphore(%arg5 : memref<!tpu.dma_semaphore, #tpu.memory_space<semaphore_mem>>)
      %add3A = arith.constant 8 : i32
      %add3A_28 = arith.addi %mul3A_0, %add3A : i32
      %dma_start3A_29 = arith.constant 8 : i32
      %dma_start3A_30 = arith.constant 0 : i32
      %dma_start3A_31 = tpu.memref_slice %arg4[%dma_start3A_29, %dma_start3A_30] : memref<17x128xf32, #tpu.memory_space<vmem>> -> memref<8x128xf32, #tpu.memory_space<vmem>>
      %dma_start3A_32 = arith.constant 0 : i32
      %dma_start3A_33 = tpu.memref_slice %arg2[%add3A_28, %dma_start3A_32] : memref<257x128xf32, #tpu.memory_space<hbm>> -> memref<8x128xf32, #tpu.memory_space<hbm>>
      %dma_start3A_34 = arith.constant 8 : i32
      %dma_start3A_35 = arith.constant 0 : i32
      %dma_start3A_36 = tpu.memref_slice %arg4[%dma_start3A_34, %dma_start3A_35] : memref<17x128xf32, #tpu.memory_space<vmem>> -> memref<8x128xf32, #tpu.memory_space<vmem>>
      %dma_start3A_37 = arith.constant 0 : i32
      %dma_start3A_38 = tpu.memref_slice %arg2[%add3A_28, %dma_start3A_37] : memref<257x128xf32, #tpu.memory_space<hbm>> -> memref<8x128xf32, #tpu.memory_space<hbm>>
      tpu.enqueue_dma source(%dma_start3A_38 : memref<8x128xf32, #tpu.memory_space<hbm>>) target(%dma_start3A_36 : memref<8x128xf32, #tpu.memory_space<vmem>>) target_semaphore(%arg6 : memref<!tpu.dma_semaphore, #tpu.memory_space<semaphore_mem>>)
      %dma_wait3A = arith.constant 0 : i32
      %dma_wait3A_39 = arith.constant 0 : i32
      %dma_wait3A_40 = tpu.memref_slice %arg4[%dma_wait3A, %dma_wait3A_39] : memref<17x128xf32, #tpu.memory_space<vmem>> -> memref<8x128xf32, #tpu.memory_space<vmem>>
      %dma_wait3A_41 = arith.constant 0 : i32
      %dma_wait3A_42 = tpu.memref_slice %arg2[%mul3A_0, %dma_wait3A_41] : memref<257x128xf32, #tpu.memory_space<hbm>> -> memref<8x128xf32, #tpu.memory_space<hbm>>
      %dma_wait3A_43 = arith.constant 0 : i32
      %dma_wait3A_44 = arith.constant 0 : i32
      %dma_wait3A_45 = tpu.memref_slice %arg4[%dma_wait3A_43, %dma_wait3A_44] : memref<17x128xf32, #tpu.memory_space<vmem>> -> memref<8x128xf32, #tpu.memory_space<vmem>>
      %dma_wait3A_46 = arith.constant 0 : i32
      %dma_wait3A_47 = tpu.memref_slice %arg2[%mul3A_0, %dma_wait3A_46] : memref<257x128xf32, #tpu.memory_space<hbm>> -> memref<8x128xf32, #tpu.memory_space<hbm>>
      tpu.wait_dma2 semaphore(%arg5 : memref<!tpu.dma_semaphore, #tpu.memory_space<semaphore_mem>>) src(%dma_wait3A_47 : memref<8x128xf32, #tpu.memory_space<hbm>>) dst(%dma_wait3A_45 : memref<8x128xf32, #tpu.memory_space<vmem>>)
      %dma_start3A_48 = arith.constant 0 : i32
      %dma_start3A_49 = arith.constant 0 : i32
      %dma_start3A_50 = tpu.memref_slice %arg4[%dma_start3A_48, %dma_start3A_49] : memref<17x128xf32, #tpu.memory_space<vmem>> -> memref<8x128xf32, #tpu.memory_space<vmem>>
      %dma_start3A_51 = arith.constant 0 : i32
      %dma_start3A_52 = tpu.memref_slice %arg3[%mul3A_0, %dma_start3A_51] : memref<257x128xf32, #tpu.memory_space<hbm>> -> memref<8x128xf32, #tpu.memory_space<hbm>>
      %dma_start3A_53 = arith.constant 0 : i32
      %dma_start3A_54 = tpu.memref_slice %arg3[%mul3A_0, %dma_start3A_53] : memref<257x128xf32, #tpu.memory_space<hbm>> -> memref<8x128xf32, #tpu.memory_space<hbm>>
      %dma_start3A_55 = arith.constant 0 : i32
      %dma_start3A_56 = arith.constant 0 : i32
      %dma_start3A_57 = tpu.memref_slice %arg4[%dma_start3A_55, %dma_start3A_56] : memref<17x128xf32, #tpu.memory_space<vmem>> -> memref<8x128xf32, #tpu.memory_space<vmem>>
      tpu.enqueue_dma source(%dma_start3A_57 : memref<8x128xf32, #tpu.memory_space<vmem>>) target(%dma_start3A_54 : memref<8x128xf32, #tpu.memory_space<hbm>>) target_semaphore(%arg7 : memref<!tpu.dma_semaphore, #tpu.memory_space<semaphore_mem>>)
      %dma_wait3A_58 = arith.constant 8 : i32
      %dma_wait3A_59 = arith.constant 0 : i32
      %dma_wait3A_60 = tpu.memref_slice %arg4[%dma_wait3A_58, %dma_wait3A_59] : memref<17x128xf32, #tpu.memory_space<vmem>> -> memref<8x128xf32, #tpu.memory_space<vmem>>
      %dma_wait3A_61 = arith.constant 0 : i32
      %dma_wait3A_62 = tpu.memref_slice %arg2[%add3A_28, %dma_wait3A_61] : memref<257x128xf32, #tpu.memory_space<hbm>> -> memref<8x128xf32, #tpu.memory_space<hbm>>
      %dma_wait3A_63 = arith.constant 8 : i32
      %dma_wait3A_64 = arith.constant 0 : i32
      %dma_wait3A_65 = tpu.memref_slice %arg4[%dma_wait3A_63, %dma_wait3A_64] : memref<17x128xf32, #tpu.memory_space<vmem>> -> memref<8x128xf32, #tpu.memory_space<vmem>>
      %dma_wait3A_66 = arith.constant 0 : i32
      %dma_wait3A_67 = tpu.memref_slice %arg2[%add3A_28, %dma_wait3A_66] : memref<257x128xf32, #tpu.memory_space<hbm>> -> memref<8x128xf32, #tpu.memory_space<hbm>>
      tpu.wait_dma2 semaphore(%arg6 : memref<!tpu.dma_semaphore, #tpu.memory_space<semaphore_mem>>) src(%dma_wait3A_67 : memref<8x128xf32, #tpu.memory_space<hbm>>) dst(%dma_wait3A_65 : memref<8x128xf32, #tpu.memory_space<vmem>>)
      %add3A_68 = arith.constant 8 : i32
      %add3A_69 = arith.addi %mul3A_0, %add3A_68 : i32
      %dma_start3A_70 = arith.constant 8 : i32
      %dma_start3A_71 = arith.constant 0 : i32
      %dma_start3A_72 = tpu.memref_slice %arg4[%dma_start3A_70, %dma_start3A_71] : memref<17x128xf32, #tpu.memory_space<vmem>> -> memref<8x128xf32, #tpu.memory_space<vmem>>
      %dma_start3A_73 = arith.constant 0 : i32
      %dma_start3A_74 = tpu.memref_slice %arg3[%add3A_69, %dma_start3A_73] : memref<257x128xf32, #tpu.memory_space<hbm>> -> memref<8x128xf32, #tpu.memory_space<hbm>>
      %dma_start3A_75 = arith.constant 0 : i32
      %dma_start3A_76 = tpu.memref_slice %arg3[%add3A_69, %dma_start3A_75] : memref<257x128xf32, #tpu.memory_space<hbm>> -> memref<8x128xf32, #tpu.memory_space<hbm>>
      %dma_start3A_77 = arith.constant 8 : i32
      %dma_start3A_78 = arith.constant 0 : i32
      %dma_start3A_79 = tpu.memref_slice %arg4[%dma_start3A_77, %dma_start3A_78] : memref<17x128xf32, #tpu.memory_space<vmem>> -> memref<8x128xf32, #tpu.memory_space<vmem>>
      tpu.enqueue_dma source(%dma_start3A_79 : memref<8x128xf32, #tpu.memory_space<vmem>>) target(%dma_start3A_76 : memref<8x128xf32, #tpu.memory_space<hbm>>) target_semaphore(%arg8 : memref<!tpu.dma_semaphore, #tpu.memory_space<semaphore_mem>>)
      %dma_wait3A_80 = arith.constant 16 : i32
      %dma_wait3A_81 = arith.constant 0 : i32
      %dma_wait3A_82 = tpu.memref_slice %arg4[%dma_wait3A_80, %dma_wait3A_81] : memref<17x128xf32, #tpu.memory_space<vmem>> -> memref<1x128xf32, #tpu.memory_space<vmem>>
      %dma_wait3A_83 = arith.constant 256 : i32
      %dma_wait3A_84 = arith.constant 0 : i32
      %dma_wait3A_85 = tpu.memref_slice %arg2[%dma_wait3A_83, %dma_wait3A_84] : memref<257x128xf32, #tpu.memory_space<hbm>> -> memref<1x128xf32, #tpu.memory_space<hbm>>
      %dma_wait3A_86 = arith.constant 16 : i32
      %dma_wait3A_87 = arith.constant 0 : i32
      %dma_wait3A_88 = tpu.memref_slice %arg4[%dma_wait3A_86, %dma_wait3A_87] : memref<17x128xf32, #tpu.memory_space<vmem>> -> memref<1x128xf32, #tpu.memory_space<vmem>>
      %dma_wait3A_89 = arith.constant 256 : i32
      %dma_wait3A_90 = arith.constant 0 : i32
      %dma_wait3A_91 = tpu.memref_slice %arg2[%dma_wait3A_89, %dma_wait3A_90] : memref<257x128xf32, #tpu.memory_space<hbm>> -> memref<1x128xf32, #tpu.memory_space<hbm>>
      tpu.wait_dma2 semaphore(%arg9 : memref<!tpu.dma_semaphore, #tpu.memory_space<semaphore_mem>>) src(%dma_wait3A_91 : memref<1x128xf32, #tpu.memory_space<hbm>>) dst(%dma_wait3A_88 : memref<1x128xf32, #tpu.memory_space<vmem>>)
      %dma_start3A_92 = arith.constant 16 : i32
      %dma_start3A_93 = arith.constant 0 : i32
      %dma_start3A_94 = tpu.memref_slice %arg4[%dma_start3A_92, %dma_start3A_93] : memref<17x128xf32, #tpu.memory_space<vmem>> -> memref<1x128xf32, #tpu.memory_space<vmem>>
      %dma_start3A_95 = arith.constant 256 : i32
      %dma_start3A_96 = arith.constant 0 : i32
      %dma_start3A_97 = tpu.memref_slice %arg3[%dma_start3A_95, %dma_start3A_96] : memref<257x128xf32, #tpu.memory_space<hbm>> -> memref<1x128xf32, #tpu.memory_space<hbm>>
      %dma_start3A_98 = arith.constant 256 : i32
      %dma_start3A_99 = arith.constant 0 : i32
      %dma_start3A_100 = tpu.memref_slice %arg3[%dma_start3A_98, %dma_start3A_99] : memref<257x128xf32, #tpu.memory_space<hbm>> -> memref<1x128xf32, #tpu.memory_space<hbm>>
      %dma_start3A_101 = arith.constant 16 : i32
      %dma_start3A_102 = arith.constant 0 : i32
      %dma_start3A_103 = tpu.memref_slice %arg4[%dma_start3A_101, %dma_start3A_102] : memref<17x128xf32, #tpu.memory_space<vmem>> -> memref<1x128xf32, #tpu.memory_space<vmem>>
      tpu.enqueue_dma source(%dma_start3A_103 : memref<1x128xf32, #tpu.memory_space<vmem>>) target(%dma_start3A_100 : memref<1x128xf32, #tpu.memory_space<hbm>>) target_semaphore(%arg10 : memref<!tpu.dma_semaphore, #tpu.memory_space<semaphore_mem>>)
      %dma_wait3A_104 = arith.constant 0 : i32
      %dma_wait3A_105 = arith.constant 0 : i32
      %dma_wait3A_106 = tpu.memref_slice %arg4[%dma_wait3A_104, %dma_wait3A_105] : memref<17x128xf32, #tpu.memory_space<vmem>> -> memref<8x128xf32, #tpu.memory_space<vmem>>
      %dma_wait3A_107 = arith.constant 0 : i32
      %dma_wait3A_108 = tpu.memref_slice %arg3[%mul3A_0, %dma_wait3A_107] : memref<257x128xf32, #tpu.memory_space<hbm>> -> memref<8x128xf32, #tpu.memory_space<hbm>>
      %dma_wait3A_109 = arith.constant 0 : i32
      %dma_wait3A_110 = tpu.memref_slice %arg3[%mul3A_0, %dma_wait3A_109] : memref<257x128xf32, #tpu.memory_space<hbm>> -> memref<8x128xf32, #tpu.memory_space<hbm>>
      %dma_wait3A_111 = arith.constant 0 : i32
      %dma_wait3A_112 = arith.constant 0 : i32
      %dma_wait3A_113 = tpu.memref_slice %arg4[%dma_wait3A_111, %dma_wait3A_112] : memref<17x128xf32, #tpu.memory_space<vmem>> -> memref<8x128xf32, #tpu.memory_space<vmem>>
      tpu.wait_dma2 semaphore(%arg7 : memref<!tpu.dma_semaphore, #tpu.memory_space<semaphore_mem>>) src(%dma_wait3A_113 : memref<8x128xf32, #tpu.memory_space<vmem>>) dst(%dma_wait3A_110 : memref<8x128xf32, #tpu.memory_space<hbm>>)
      %dma_wait3A_114 = arith.constant 8 : i32
      %dma_wait3A_115 = arith.constant 0 : i32
      %dma_wait3A_116 = tpu.memref_slice %arg4[%dma_wait3A_114, %dma_wait3A_115] : memref<17x128xf32, #tpu.memory_space<vmem>> -> memref<8x128xf32, #tpu.memory_space<vmem>>
      %dma_wait3A_117 = arith.constant 0 : i32
      %dma_wait3A_118 = tpu.memref_slice %arg3[%add3A_69, %dma_wait3A_117] : memref<257x128xf32, #tpu.memory_space<hbm>> -> memref<8x128xf32, #tpu.memory_space<hbm>>
      %dma_wait3A_119 = arith.constant 0 : i32
      %dma_wait3A_120 = tpu.memref_slice %arg3[%add3A_69, %dma_wait3A_119] : memref<257x128xf32, #tpu.memory_space<hbm>> -> memref<8x128xf32, #tpu.memory_space<hbm>>
      %dma_wait3A_121 = arith.constant 8 : i32
      %dma_wait3A_122 = arith.constant 0 : i32
      %dma_wait3A_123 = tpu.memref_slice %arg4[%dma_wait3A_121, %dma_wait3A_122] : memref<17x128xf32, #tpu.memory_space<vmem>> -> memref<8x128xf32, #tpu.memory_space<vmem>>
      tpu.wait_dma2 semaphore(%arg8 : memref<!tpu.dma_semaphore, #tpu.memory_space<semaphore_mem>>) src(%dma_wait3A_123 : memref<8x128xf32, #tpu.memory_space<vmem>>) dst(%dma_wait3A_120 : memref<8x128xf32, #tpu.memory_space<hbm>>)
      %dma_wait3A_124 = arith.constant 16 : i32
      %dma_wait3A_125 = arith.constant 0 : i32
      %dma_wait3A_126 = tpu.memref_slice %arg4[%dma_wait3A_124, %dma_wait3A_125] : memref<17x128xf32, #tpu.memory_space<vmem>> -> memref<1x128xf32, #tpu.memory_space<vmem>>
      %dma_wait3A_127 = arith.constant 256 : i32
      %dma_wait3A_128 = arith.constant 0 : i32
      %dma_wait3A_129 = tpu.memref_slice %arg3[%dma_wait3A_127, %dma_wait3A_128] : memref<257x128xf32, #tpu.memory_space<hbm>> -> memref<1x128xf32, #tpu.memory_space<hbm>>
      %dma_wait3A_130 = arith.constant 256 : i32
      %dma_wait3A_131 = arith.constant 0 : i32
      %dma_wait3A_132 = tpu.memref_slice %arg3[%dma_wait3A_130, %dma_wait3A_131] : memref<257x128xf32, #tpu.memory_space<hbm>> -> memref<1x128xf32, #tpu.memory_space<hbm>>
      %dma_wait3A_133 = arith.constant 16 : i32
      %dma_wait3A_134 = arith.constant 0 : i32
      %dma_wait3A_135 = tpu.memref_slice %arg4[%dma_wait3A_133, %dma_wait3A_134] : memref<17x128xf32, #tpu.memory_space<vmem>> -> memref<1x128xf32, #tpu.memory_space<vmem>>
      tpu.wait_dma2 semaphore(%arg10 : memref<!tpu.dma_semaphore, #tpu.memory_space<semaphore_mem>>) src(%dma_wait3A_135 : memref<1x128xf32, #tpu.memory_space<vmem>>) dst(%dma_wait3A_132 : memref<1x128xf32, #tpu.memory_space<hbm>>)
    } else {
    }
    %gt3A = arith.constant 0 : i32
    %gt3A_3 = arith.cmpi sgt, %arg1, %gt3A : i32
    %convert_element_type3A_4 = arith.extui %gt3A_3 : i1 to i32
    %cond3A_5 = arith.constant 0 : i32
    %cond3A_6 = arith.cmpi ne, %convert_element_type3A_4, %cond3A_5 : i32
    scf.if %cond3A_6 {
      %dma_start3A = arith.constant 0 : i32
      %dma_start3A_7 = arith.constant 0 : i32
      %dma_start3A_8 = tpu.memref_slice %arg4[%dma_start3A, %dma_start3A_7] : memref<17x128xf32, #tpu.memory_space<vmem>> -> memref<8x128xf32, #tpu.memory_space<vmem>>
      %dma_start3A_9 = arith.constant 0 : i32
      %dma_start3A_10 = tpu.memref_slice %arg2[%mul3A_0, %dma_start3A_9] : memref<257x128xf32, #tpu.memory_space<hbm>> -> memref<8x128xf32, #tpu.memory_space<hbm>>
      %dma_start3A_11 = arith.constant 0 : i32
      %dma_start3A_12 = arith.constant 0 : i32
      %dma_start3A_13 = tpu.memref_slice %arg4[%dma_start3A_11, %dma_start3A_12] : memref<17x128xf32, #tpu.memory_space<vmem>> -> memref<8x128xf32, #tpu.memory_space<vmem>>
      %dma_start3A_14 = arith.constant 0 : i32
      %dma_start3A_15 = tpu.memref_slice %arg2[%mul3A_0, %dma_start3A_14] : memref<257x128xf32, #tpu.memory_space<hbm>> -> memref<8x128xf32, #tpu.memory_space<hbm>>
      tpu.enqueue_dma source(%dma_start3A_15 : memref<8x128xf32, #tpu.memory_space<hbm>>) target(%dma_start3A_13 : memref<8x128xf32, #tpu.memory_space<vmem>>) target_semaphore(%arg5 : memref<!tpu.dma_semaphore, #tpu.memory_space<semaphore_mem>>)
      %add3A = arith.constant 8 : i32
      %add3A_16 = arith.addi %mul3A_0, %add3A : i32
      %dma_start3A_17 = arith.constant 8 : i32
      %dma_start3A_18 = arith.constant 0 : i32
      %dma_start3A_19 = tpu.memref_slice %arg4[%dma_start3A_17, %dma_start3A_18] : memref<17x128xf32, #tpu.memory_space<vmem>> -> memref<8x128xf32, #tpu.memory_space<vmem>>
      %dma_start3A_20 = arith.constant 0 : i32
      %dma_start3A_21 = tpu.memref_slice %arg2[%add3A_16, %dma_start3A_20] : memref<257x128xf32, #tpu.memory_space<hbm>> -> memref<8x128xf32, #tpu.memory_space<hbm>>
      %dma_start3A_22 = arith.constant 8 : i32
      %dma_start3A_23 = arith.constant 0 : i32
      %dma_start3A_24 = tpu.memref_slice %arg4[%dma_start3A_22, %dma_start3A_23] : memref<17x128xf32, #tpu.memory_space<vmem>> -> memref<8x128xf32, #tpu.memory_space<vmem>>
      %dma_start3A_25 = arith.constant 0 : i32
      %dma_start3A_26 = tpu.memref_slice %arg2[%add3A_16, %dma_start3A_25] : memref<257x128xf32, #tpu.memory_space<hbm>> -> memref<8x128xf32, #tpu.memory_space<hbm>>
      tpu.enqueue_dma source(%dma_start3A_26 : memref<8x128xf32, #tpu.memory_space<hbm>>) target(%dma_start3A_24 : memref<8x128xf32, #tpu.memory_space<vmem>>) target_semaphore(%arg6 : memref<!tpu.dma_semaphore, #tpu.memory_space<semaphore_mem>>)
      %dma_wait3A = arith.constant 0 : i32
      %dma_wait3A_27 = arith.constant 0 : i32
      %dma_wait3A_28 = tpu.memref_slice %arg4[%dma_wait3A, %dma_wait3A_27] : memref<17x128xf32, #tpu.memory_space<vmem>> -> memref<8x128xf32, #tpu.memory_space<vmem>>
      %dma_wait3A_29 = arith.constant 0 : i32
      %dma_wait3A_30 = tpu.memref_slice %arg2[%mul3A_0, %dma_wait3A_29] : memref<257x128xf32, #tpu.memory_space<hbm>> -> memref<8x128xf32, #tpu.memory_space<hbm>>
      %dma_wait3A_31 = arith.constant 0 : i32
      %dma_wait3A_32 = arith.constant 0 : i32
      %dma_wait3A_33 = tpu.memref_slice %arg4[%dma_wait3A_31, %dma_wait3A_32] : memref<17x128xf32, #tpu.memory_space<vmem>> -> memref<8x128xf32, #tpu.memory_space<vmem>>
      %dma_wait3A_34 = arith.constant 0 : i32
      %dma_wait3A_35 = tpu.memref_slice %arg2[%mul3A_0, %dma_wait3A_34] : memref<257x128xf32, #tpu.memory_space<hbm>> -> memref<8x128xf32, #tpu.memory_space<hbm>>
      tpu.wait_dma2 semaphore(%arg5 : memref<!tpu.dma_semaphore, #tpu.memory_space<semaphore_mem>>) src(%dma_wait3A_35 : memref<8x128xf32, #tpu.memory_space<hbm>>) dst(%dma_wait3A_33 : memref<8x128xf32, #tpu.memory_space<vmem>>)
      %dma_start3A_36 = arith.constant 0 : i32
      %dma_start3A_37 = arith.constant 0 : i32
      %dma_start3A_38 = tpu.memref_slice %arg4[%dma_start3A_36, %dma_start3A_37] : memref<17x128xf32, #tpu.memory_space<vmem>> -> memref<8x128xf32, #tpu.memory_space<vmem>>
      %dma_start3A_39 = arith.constant 0 : i32
      %dma_start3A_40 = tpu.memref_slice %arg3[%mul3A_0, %dma_start3A_39] : memref<257x128xf32, #tpu.memory_space<hbm>> -> memref<8x128xf32, #tpu.memory_space<hbm>>
      %dma_start3A_41 = arith.constant 0 : i32
      %dma_start3A_42 = tpu.memref_slice %arg3[%mul3A_0, %dma_start3A_41] : memref<257x128xf32, #tpu.memory_space<hbm>> -> memref<8x128xf32, #tpu.memory_space<hbm>>
      %dma_start3A_43 = arith.constant 0 : i32
      %dma_start3A_44 = arith.constant 0 : i32
      %dma_start3A_45 = tpu.memref_slice %arg4[%dma_start3A_43, %dma_start3A_44] : memref<17x128xf32, #tpu.memory_space<vmem>> -> memref<8x128xf32, #tpu.memory_space<vmem>>
      tpu.enqueue_dma source(%dma_start3A_45 : memref<8x128xf32, #tpu.memory_space<vmem>>) target(%dma_start3A_42 : memref<8x128xf32, #tpu.memory_space<hbm>>) target_semaphore(%arg7 : memref<!tpu.dma_semaphore, #tpu.memory_space<semaphore_mem>>)
      %dma_wait3A_46 = arith.constant 8 : i32
      %dma_wait3A_47 = arith.constant 0 : i32
      %dma_wait3A_48 = tpu.memref_slice %arg4[%dma_wait3A_46, %dma_wait3A_47] : memref<17x128xf32, #tpu.memory_space<vmem>> -> memref<8x128xf32, #tpu.memory_space<vmem>>
      %dma_wait3A_49 = arith.constant 0 : i32
      %dma_wait3A_50 = tpu.memref_slice %arg2[%add3A_16, %dma_wait3A_49] : memref<257x128xf32, #tpu.memory_space<hbm>> -> memref<8x128xf32, #tpu.memory_space<hbm>>
      %dma_wait3A_51 = arith.constant 8 : i32
      %dma_wait3A_52 = arith.constant 0 : i32
      %dma_wait3A_53 = tpu.memref_slice %arg4[%dma_wait3A_51, %dma_wait3A_52] : memref<17x128xf32, #tpu.memory_space<vmem>> -> memref<8x128xf32, #tpu.memory_space<vmem>>
      %dma_wait3A_54 = arith.constant 0 : i32
      %dma_wait3A_55 = tpu.memref_slice %arg2[%add3A_16, %dma_wait3A_54] : memref<257x128xf32, #tpu.memory_space<hbm>> -> memref<8x128xf32, #tpu.memory_space<hbm>>
      tpu.wait_dma2 semaphore(%arg6 : memref<!tpu.dma_semaphore, #tpu.memory_space<semaphore_mem>>) src(%dma_wait3A_55 : memref<8x128xf32, #tpu.memory_space<hbm>>) dst(%dma_wait3A_53 : memref<8x128xf32, #tpu.memory_space<vmem>>)
      %add3A_56 = arith.constant 8 : i32
      %add3A_57 = arith.addi %mul3A_0, %add3A_56 : i32
      %dma_start3A_58 = arith.constant 8 : i32
      %dma_start3A_59 = arith.constant 0 : i32
      %dma_start3A_60 = tpu.memref_slice %arg4[%dma_start3A_58, %dma_start3A_59] : memref<17x128xf32, #tpu.memory_space<vmem>> -> memref<8x128xf32, #tpu.memory_space<vmem>>
      %dma_start3A_61 = arith.constant 0 : i32
      %dma_start3A_62 = tpu.memref_slice %arg3[%add3A_57, %dma_start3A_61] : memref<257x128xf32, #tpu.memory_space<hbm>> -> memref<8x128xf32, #tpu.memory_space<hbm>>
      %dma_start3A_63 = arith.constant 0 : i32
      %dma_start3A_64 = tpu.memref_slice %arg3[%add3A_57, %dma_start3A_63] : memref<257x128xf32, #tpu.memory_space<hbm>> -> memref<8x128xf32, #tpu.memory_space<hbm>>
      %dma_start3A_65 = arith.constant 8 : i32
      %dma_start3A_66 = arith.constant 0 : i32
      %dma_start3A_67 = tpu.memref_slice %arg4[%dma_start3A_65, %dma_start3A_66] : memref<17x128xf32, #tpu.memory_space<vmem>> -> memref<8x128xf32, #tpu.memory_space<vmem>>
      tpu.enqueue_dma source(%dma_start3A_67 : memref<8x128xf32, #tpu.memory_space<vmem>>) target(%dma_start3A_64 : memref<8x128xf32, #tpu.memory_space<hbm>>) target_semaphore(%arg8 : memref<!tpu.dma_semaphore, #tpu.memory_space<semaphore_mem>>)
      %dma_wait3A_68 = arith.constant 0 : i32
      %dma_wait3A_69 = arith.constant 0 : i32
      %dma_wait3A_70 = tpu.memref_slice %arg4[%dma_wait3A_68, %dma_wait3A_69] : memref<17x128xf32, #tpu.memory_space<vmem>> -> memref<8x128xf32, #tpu.memory_space<vmem>>
      %dma_wait3A_71 = arith.constant 0 : i32
      %dma_wait3A_72 = tpu.memref_slice %arg3[%mul3A_0, %dma_wait3A_71] : memref<257x128xf32, #tpu.memory_space<hbm>> -> memref<8x128xf32, #tpu.memory_space<hbm>>
      %dma_wait3A_73 = arith.constant 0 : i32
      %dma_wait3A_74 = tpu.memref_slice %arg3[%mul3A_0, %dma_wait3A_73] : memref<257x128xf32, #tpu.memory_space<hbm>> -> memref<8x128xf32, #tpu.memory_space<hbm>>
      %dma_wait3A_75 = arith.constant 0 : i32
      %dma_wait3A_76 = arith.constant 0 : i32
      %dma_wait3A_77 = tpu.memref_slice %arg4[%dma_wait3A_75, %dma_wait3A_76] : memref<17x128xf32, #tpu.memory_space<vmem>> -> memref<8x128xf32, #tpu.memory_space<vmem>>
      tpu.wait_dma2 semaphore(%arg7 : memref<!tpu.dma_semaphore, #tpu.memory_space<semaphore_mem>>) src(%dma_wait3A_77 : memref<8x128xf32, #tpu.memory_space<vmem>>) dst(%dma_wait3A_74 : memref<8x128xf32, #tpu.memory_space<hbm>>)
      %dma_wait3A_78 = arith.constant 8 : i32
      %dma_wait3A_79 = arith.constant 0 : i32
      %dma_wait3A_80 = tpu.memref_slice %arg4[%dma_wait3A_78, %dma_wait3A_79] : memref<17x128xf32, #tpu.memory_space<vmem>> -> memref<8x128xf32, #tpu.memory_space<vmem>>
      %dma_wait3A_81 = arith.constant 0 : i32
      %dma_wait3A_82 = tpu.memref_slice %arg3[%add3A_57, %dma_wait3A_81] : memref<257x128xf32, #tpu.memory_space<hbm>> -> memref<8x128xf32, #tpu.memory_space<hbm>>
      %dma_wait3A_83 = arith.constant 0 : i32
      %dma_wait3A_84 = tpu.memref_slice %arg3[%add3A_57, %dma_wait3A_83] : memref<257x128xf32, #tpu.memory_space<hbm>> -> memref<8x128xf32, #tpu.memory_space<hbm>>
      %dma_wait3A_85 = arith.constant 8 : i32
      %dma_wait3A_86 = arith.constant 0 : i32
      %dma_wait3A_87 = tpu.memref_slice %arg4[%dma_wait3A_85, %dma_wait3A_86] : memref<17x128xf32, #tpu.memory_space<vmem>> -> memref<8x128xf32, #tpu.memory_space<vmem>>
      tpu.wait_dma2 semaphore(%arg8 : memref<!tpu.dma_semaphore, #tpu.memory_space<semaphore_mem>>) src(%dma_wait3A_87 : memref<8x128xf32, #tpu.memory_space<vmem>>) dst(%dma_wait3A_84 : memref<8x128xf32, #tpu.memory_space<hbm>>)
    } else {
    }
    return
  }
}

</mosaic_0001>

<sc_bundles>
// kernel: kernel.3.cloned.1.call-start
scs
__scs_entry_jumppad:
0x0: {  	(pc) =	sbr.rel $0x88, $3  }
0x1: {  	(tag) =	ssettag $0x0;
	lr =	simm.s32 $0x1  }
0x2: {  	[smem:$0x3FA0] =	sst lr;
	_ =	strace $0xD0000000  }
0x3: {  	_ = 	snop  }
0x4: {  	_ = 	snop  }
0x5: {  	_ = 	snop  }
0x6: {  	_ = 	snop  }
0x7: {  	_ = 	snop  }
__scs_overlays_trampoline_lowered:
0x8: {  	[smem:$0x3FAF] =	sst s0  }
0x9: {  	[smem:$0x3FB0] =	sst s1  }
0xa: {  	[smem:$0x3FB1] =	sst s2  }
0xb: {  	[smem:$0x3FB2] =	sst s3  }
0xc: {  	[smem:$0x3FB3] =	sst s4  }
0xd: {  	[smem:$0x3FB4] =	sst s5  }
0xe: {  	[smem:$0x3FB5] =	sst s6  }
0xf: {  	[smem:$0x3FB6] =	sst s7  }
0x10: {  	[smem:$0x3FB7] =	sst s8  }
0x11: {  	[smem:$0x3FB8] =	sst s9;
	s0 =	simm.s32 @!p0 $0x0  }
0x12: {  	s1 =	sld [smem:$0x3F9E];
	s0 =	simm.s32 @p0 $0x1  }
0x13: {  	[smem:$0x3FB9] =	sst s0;
	s0 =	simm.s32 @!p1 $0x0  }
0x14: {  	s2 =	sld [smem:$0x3F9D];
	s0 =	simm.s32 @p1 $0x1  }
0x15: {  	[smem:$0x3FBA] =	sst s0;
	s0 =	simm.s32 @!p2 $0x0  }
0x16: {  	s3 =	sld [smem:$0x3FDB];
	s0 =	simm.s32 @p2 $0x1  }
0x17: {  	s4 =	simm.s32 $0x1BF5;
	[smem:$0x3FBC] =	sst s0  }
0x18: {  	s0 =	sld [smem:$0x3F9F];
	_ =	swait.ge [sflag:s4], $0x0  }
0x19: {  	s7 =	sld [smem:$0x3FA0]  }
0x1a: {  	s8 =	sadd.s32 $0xFFFFE003, lr  }
0x1b: {  	s9 =	sadd.s32 $0xFFFFFEF7, lr;
	s5 =	simm.s32 $0xFFFFFFFF;
	p2 =	slt.u32 s8, $0xFFFFF086  }
0x1c: {  	p1 =	slt.u32 s9, $0xF7A;
	s5 =	simm.s32 @!p2 $0x0  }
0x1d: {  	s5 =	simm.s32 @p1 $0x1;
	p0 =	seq.s32 s7, s2  }
0x1e: {  	s7 =	smul.u32 @!p0 $0xF7A, s2;
	p2 =	seq.s32 @!p0 s5, $0x0  }
0x1f: {  	s9 =	smul.u32 $0xF7A, s1;
	s8 =	simm.s32 @!p0 $0x1BF5;
	p2 =	por !p2, p0  }
0x20: {  	[sflag:s8] =	ssyncset.s32 @!p0 $0xFFFFF086;
	s6 =	sadd.s32 @!p0 s3, s7;
	s7 =	simm.s32 @!p0 $0x108  }
0x21: {  	s3 =	sadd.s32 s3, s9;
	s6 =	sadd.s32 @!p0 $0x88, s6;
	s7 =	simm.s32 @p2 $0x1082  }
0x22: {  	[simem:s7], [sflag:s8] =	dma.local @!p0 [hbm:s6], $0xF7A  }
0x23: {  	s9 =	sor.u32 $0xD0000000, s2;
	s6 =	simm.s32 $0x108;
	_ =	swait.ge @!p0 [sflag:s8], $0x0  }
0x24: {  	s3 =	sadd.s32 $0x88, s3;
	s6 =	simm.s32 @!p1 $0x1082;
	[sflag:s4] =	ssyncset.s32 $0xFFFFF086  }
0x25: {  	[simem:s6], [sflag:s4] =	dma.local [hbm:s3], $0xF7A  }
0x26: {  	[smem:$0x3FA0] =	sst s1;
	(tag) =	ssettag s2;
	_ =	strace s9  }
0x27: {  	s1 =	sld [smem:$0x3FB0]  }
0x28: {  	s2 =	sld [smem:$0x3FB1]  }
0x29: {  	s4 =	sld [smem:$0x3FB3]  }
0x2a: {  	p0 =	seq.s32 s5, $0x0;
	s5 =	sld [smem:$0x3FB4]  }
0x2b: {  	s6 =	sld [smem:$0x3FB5]  }
0x2c: {  	s7 =	sld [smem:$0x3FB6]  }
0x2d: {  	s3 =	simm.s32 $0x108;
	s8 =	sld [smem:$0x3FB7]  }
0x2e: {  	s3 =	simm.s32 @!p0 $0x1082;
	s9 =	sld [smem:$0x3FB8]  }
0x2f: {  	lr =	sadd.s32 s0, s3;
	s0 =	sld [smem:$0x3FAF]  }
0x30: {  	s3 =	sld [smem:$0x3FB2]  }
0x31: {  	[smem:$0x3FBB] =	sst s10  }
0x32: {  	s10 =	sld [smem:$0x3FB9];
	_ =	sdelay $0x3  }
0x33: {  	p0 =	seq.s32 s10, $0x1;
	s10 =	sld [smem:$0x3FBB];
	_ =	sdelay $0x3  }
0x34: {  	[smem:$0x3FBB] =	sst s10  }
0x35: {  	s10 =	sld [smem:$0x3FBA];
	_ =	sdelay $0x3  }
0x36: {  	p1 =	seq.s32 s10, $0x1;
	s10 =	sld [smem:$0x3FBB];
	_ =	sdelay $0x3  }
0x37: {  	[smem:$0x3FBB] =	sst s10  }
0x38: {  	s10 =	sld [smem:$0x3FBC]  }
0x39: {  	_ = 	snop;
	(pc) =	sbr.ind lr, $3  }
0x3a: {  	_ = 	snop  }
0x3b: {  	_ = 	snop  }
0x3c: {  	p2 =	seq.s32 s10, $0x1;
	s10 =	sld [smem:$0x3FBB]  }
0x3d: {  	_ =	shalt  }
0x3e: {  	_ =	shalt  }
0x3f: {  	_ =	shalt  }
0x40: {  	_ =	shalt  }
0x41: {  	_ =	shalt  }
0x42: {  	_ =	shalt  }
0x43: {  	_ =	shalt  }
0x44: {  	_ =	shalt  }
0x45: {  	_ =	shalt  }
0x46: {  	_ =	shalt  }
0x47: {  	_ =	shalt  }
0x48: {  	_ =	shalt  }
0x49: {  	_ =	shalt  }
0x4a: {  	_ =	shalt  }
0x4b: {  	_ =	shalt  }
0x4c: {  	_ =	shalt  }
0x4d: {  	_ =	shalt  }
0x4e: {  	_ =	shalt  }
0x4f: {  	_ =	shalt  }
0x50: {  	_ =	shalt  }
0x51: {  	_ =	shalt  }
0x52: {  	_ =	shalt  }
0x53: {  	_ =	shalt  }
0x54: {  	_ =	shalt  }
0x55: {  	_ =	shalt  }
0x56: {  	_ =	shalt  }
0x57: {  	_ =	shalt  }
0x58: {  	_ =	shalt  }
0x59: {  	_ =	shalt  }
0x5a: {  	_ =	shalt  }
0x5b: {  	_ =	shalt  }
0x5c: {  	_ =	shalt  }
0x5d: {  	_ =	shalt  }
0x5e: {  	_ =	shalt  }
0x5f: {  	_ =	shalt  }
0x60: {  	_ =	shalt  }
0x61: {  	_ =	shalt  }
0x62: {  	_ =	shalt  }
0x63: {  	_ =	shalt  }
0x64: {  	_ =	shalt  }
0x65: {  	_ =	shalt  }
0x66: {  	_ =	shalt  }
0x67: {  	_ =	shalt  }
0x68: {  	_ =	shalt  }
0x69: {  	_ =	shalt  }
0x6a: {  	_ =	shalt  }
0x6b: {  	_ =	shalt  }
0x6c: {  	_ =	shalt  }
0x6d: {  	_ =	shalt  }
0x6e: {  	_ =	shalt  }
0x6f: {  	_ =	shalt  }
0x70: {  	_ =	shalt  }
0x71: {  	_ =	shalt  }
0x72: {  	_ =	shalt  }
0x73: {  	_ =	shalt  }
0x74: {  	_ =	shalt  }
0x75: {  	_ =	shalt  }
0x76: {  	_ =	shalt  }
0x77: {  	_ =	shalt  }
0x78: {  	_ =	shalt  }
0x79: {  	_ =	shalt  }
0x7a: {  	_ =	shalt  }
0x7b: {  	_ =	shalt  }
0x7c: {  	_ =	shalt  }
0x7d: {  	_ =	shalt  }
0x7e: {  	_ =	shalt  }
0x7f: {  	_ =	shalt  }
0x80: {  	_ =	shalt  }
0x81: {  	_ =	shalt  }
0x82: {  	_ =	shalt  }
0x83: {  	_ =	shalt  }
0x84: {  	_ =	shalt  }
0x85: {  	_ =	shalt  }
0x86: {  	_ =	shalt  }
0x87: {  	_ =	shalt  }
.Lfunc_end0:
.L_simem_size_0:
called_computation_lowered:
.L_overlay_start_0:
0x88: {  	s0 =	sld [smem:$0x3FD9]  }
0x89: {  	s1 =	sld [smem:$0x3FFE];
	_ =	sdelay $0x3  }
0x8a: {  	s0 =	sadd.s32 s1, s0  }
0x8b: {  	[smem:$0x3FC7] =	sst s0  }
0x8c: {  	_ = 	snop  }
0x8d: {  	s0 =	sld [smem:$0x3FC9]  }
0x8e: {  	s17 =	sld [smem:$0x3FD0];
	(tm) =	ssettm $0x1  }
0x8f: {  	s2 =	sld [smem:$0x3FFB];
	_ =	sdelay $0x3  }
0x90: {  	_ =	strace s2  }
0x91: {  	s2 =	sld [smem:$0x3FFC];
	_ =	sdelay $0x3  }
0x92: {  	_ =	strace s2  }
0x93: {  	s2 =	sld [smem:$0x3FFD];
	_ =	sdelay $0x3  }
0x94: {  	_ =	strace s2  }
0x95: {  	_ =	strace $0x8FFFFFFF  }
0x96: {  	s18 =	sld [smem:$0x3FDB];
	_ =	sdelay $0x1  }
0x97: {  	s3 =	simm.s32 $_scs_section_size  }
0x98: {  	s4 =	simm.s32 $_size__tile_overlayer_lowered;
	s5 =	simm.s32 $_tile_overlayer_lowered  }
0x99: {  	s21 =	simm.s32 $0x1BFF;
	s20 =	sshll.u32 s5, $0x1;
	s2 =	sadd.s32 s3, s18  }
0x9a: {  	s6 =	simm.s32 $0x0;
	s19 =	sshll.u32 s4, $0x1;
	s4 =	sadd.s32 s20, s2  }
0x9b: {  	[timem:s6], [sflag:s21] =	dma.local [hbm:s4], s19  }
0x9c: {  	_ =	swait.ge [sflag:s21], s19  }
0x9d: {  	s3 =	ssub.s32 $0x0, s19;
	[sflag:s21] =	ssyncset.done $0x0  }
0x9e: {  	[sflag:s21] =	ssyncadd.s32 s3;
	_ =	sdelay $0x1  }
0x9f: {  	s22 =	simm.s32 $0x1B8B  }
0xa0: {  	_ =	swait.ge [sflag:s22], $0x1  }
0xa1: {  	[sflag:s22] =	ssyncset.done $0x0  }
0xa2: {  	s23 =	simm.s32 $0x1B8E;
	[sflag:s22] =	ssyncadd.s32 $0xFFFFFFFF  }
0xa3: {  	s24 =	simm.s32 $execute0_lowered;
	[smem:$0x3FD2] =	sst s23  }
0xa4: {  	s3 =	sshll.u32 s24, $0x1;
	_ =	strace $0x80000046;
	[dreg:$0x1] =	wrdreg $0xFFFFFFFF  }
0xa5: {  	s25 =	simm.s32 $_size_execute0_lowered;
	s2 =	sadd.s32 s2, s3;
	[dreg:$0x0] =	wrdreg $0x0  }
0xa6: {  	s3 =	sshll.u32 s25, $0x1;
	[dreg:$0x2] =	wrdreg s2  }
0xa7: {  	[dreg:$0x3] =	wrdreg s3  }
0xa8: {  	[dreg:$0x4] =	wrdreg $0xC0  }
0xa9: {  	_ =	task [dreg:s6], $0x5FFFF  }
0xaa: {  	[dreg:$0x1] =	wrdreg $0xFFFFFFFF  }
0xab: {  	[dreg:$0x0] =	wrdreg $0x60  }
0xac: {  	[dreg:$0x2] =	wrdreg s0  }
0xad: {  	[dreg:$0x3] =	wrdreg s17  }
0xae: {  	[dreg:$0x4] =	wrdreg $0x9  }
0xaf: {  	_ =	task.clear_ibuf [dreg:s6], $0x5FFFF;
	_ =	strace $0x90000046  }
0xb0: {  	s26 =	simm.s32 $0x9;
	_ =	strace $0x80000048  }
0xb1: {  	_ =	swait.ge [sflag:s26], $0x1  }
0xb2: {  	[sflag:s26] =	ssyncadd.s32 $0xFFFFFFFF  }
0xb3: {  	_ =	strace $0x90000048  }
0xb4: {  	_ =	sfence  }
0xb5: {  	s28 =	sld [smem:$0x0];
	_ =	sdelay $0x1  }
0xb6: {  	s29 =	srdreg.scid  }
0xb7: {  	s30 =	sshll.u32 s29, $0xD;
	s31 =	sshrl.u32 s29, $0x2  }
0xb8: {  	s1 =	sand.u32 $0x1, s29;
	s2 =	sand.u32 $0x4000, s30;
	s0 =	sadd.s32 s31, s28  }
0xb9: {  	s1 =	sor.u32 s2, s1;
	s0 =	sshll.u32 s0, $0x11  }
0xba: {  	s0 =	sor.u32 s0, s1  }
0xbb: {  	s0 =	sadd.s32 $0x8F2B, s0  }
0xbc: {  	[sflag:s0] =	ssyncadd.remote.s32 $0x1  }
0xbd: {  	_ =	sfence.sel $0xFFFF  }
0xbe: {  	[dreg:$0x0] =	wrdreg $0xFFFFFFFF;
	(pc) =	sbr.abs _section_cstart, $3  }
0xbf: {  	[dreg:$0x1] =	wrdreg $0xFFFFFFFF  }
0xc0: {  	_ =	task.clear_ibuf [dreg:s6], $0x2FFFF;
	_ =	strace $0x9FFFFFFF  }
0xc1: {  	(tm) =	ssettm $0x7FFFFFFF  }
tec
execute0_lowered:
.L_overlay_start_1:
0x0: {  	(tag) =	ssettag $0x1  }
0x1: {  	s1 =	rddreg [dreg:$0x0]  }
0x2: {  	s2 =	rddreg [dreg:$0x1];
	s3 =	simm.s32 $0x0;
	s4 =	stileid.u32  }
0x3: {  	[smem:$0x7FF] =	sst s3;
	p0 =	sne.s32 s4, $0x0  }
0x4: {  	s0 =	rddreg [dreg:$0x2];
	_ =	strace $0x80000047;
	s3 =	sshll.u32 @p0 s4, $0x8  }
0x5: {  	s6 =	simm.s32 @p0 $0x0;
	s4 =	sor.u32 @p0 $0x80, s3;
	s5 =	sadd.s32 @p0 s1, s3  }
0x6: {  	[tilespmem:s6], [sflag:$0x1] =	stream.linear.gather @p0 [hbm4b:s5+s6], $0x400, $0x38;
	[tilespmem:$0xC00] =	vst v63  }
0x7: {  	s7 =	simm.s32 @p0 $0x400;
	s5 =	sadd.s32 @p0 s1, s4  }
0x8: {  	[tilespmem:s7], [sflag:$0x2] =	stream.linear.gather @p0 [hbm4b:s5+s6], $0x400, $0x38;
	[tilespmem:$0xC00] =	vst v63  }
0x9: {  	s5 =	simm.s32 @p0 $0x1  }
0xa: {  	_ =	swait.ge @p0 [sflag:s5], $0x400  }
0xb: {  	[sflag:s5] =	ssyncset.done @p0 $0x0  }
0xc: {  	s3 =	sadd.s32 @p0 s2, s3;
	[sflag:s5] =	ssyncadd.s32 @p0 $0xFFFFFC00  }
0xd: {  	[hbm4b:s3+s6] =	stream.linear.scatter @p0 [tilespmem:s6], [sflag:$0x3], $0x400, $0x38;
	[tilespmem:$0xC00] =	vst v63  }
0xe: {  	s3 =	simm.s32 @p0 $0x2  }
0xf: {  	_ =	swait.ge @p0 [sflag:s3], $0x400  }
0x10: {  	[sflag:s3] =	ssyncset.done @p0 $0x0  }
0x11: {  	s4 =	sadd.s32 @p0 s2, s4;
	[sflag:s3] =	ssyncadd.s32 @p0 $0xFFFFFC00;
	s3 =	simm.s32 @p0 $0x3  }
0x12: {  	[hbm4b:s4+s6] =	stream.linear.scatter @p0 [tilespmem:s7], [sflag:$0x4], $0x400, $0x38;
	[tilespmem:$0xC00] =	vst v63  }
0x13: {  	_ =	swait.ge @p0 [sflag:s3], $0x400  }
0x14: {  	[sflag:s3] =	ssyncset.done @p0 $0x0  }
0x15: {  	[sflag:s3] =	ssyncadd.s32 @p0 $0xFFFFFC00;
	s3 =	simm.s32 @p0 $0x4  }
0x16: {  	_ =	swait.ge @p0 [sflag:s3], $0x400  }
0x17: {  	s5 =	simm.s32 @!p0 $0x800;
	[sflag:s3] =	ssyncset.done @p0 $0x0  }
0x18: {  	s4 =	simm.s32 @!p0 $0x0;
	[sflag:s3] =	ssyncadd.s32 @p0 $0xFFFFFC00;
	s3 =	sadd.s32 @!p0 $0x1000, s1  }
0x19: {  	[tilespmem:s5], [sflag:$0x5] =	stream.linear.gather @!p0 [hbm4b:s3+s4], $0x80, $0x38;
	[tilespmem:$0xC00] =	vst v63  }
0x1a: {  	_ = 	snop  }
0x1b: {  	[tilespmem:s4], [sflag:$0x1] =	stream.linear.gather @!p0 [hbm4b:s1+s4], $0x400, $0x38;
	[tilespmem:$0xC00] =	vst v63  }
0x1c: {  	s3 =	simm.s32 @!p0 $0x400;
	s1 =	sadd.s32 @!p0 $0x80, s1  }
0x1d: {  	[tilespmem:s3], [sflag:$0x2] =	stream.linear.gather @!p0 [hbm4b:s1+s4], $0x400, $0x38;
	[tilespmem:$0xC00] =	vst v63  }
0x1e: {  	s1 =	simm.s32 @!p0 $0x1  }
0x1f: {  	_ =	swait.ge @!p0 [sflag:s1], $0x400  }
0x20: {  	[sflag:s1] =	ssyncset.done @!p0 $0x0  }
0x21: {  	[sflag:s1] =	ssyncadd.s32 @!p0 $0xFFFFFC00;
	s1 =	simm.s32 @!p0 $0x2  }
0x22: {  	[hbm4b:s2+s4] =	stream.linear.scatter @!p0 [tilespmem:s4], [sflag:$0x3], $0x400, $0x38;
	[tilespmem:$0xC00] =	vst v63  }
0x23: {  	_ =	swait.ge @!p0 [sflag:s1], $0x400  }
0x24: {  	[sflag:s1] =	ssyncset.done @!p0 $0x0  }
0x25: {  	s6 =	sadd.s32 @!p0 $0x80, s2;
	[sflag:s1] =	ssyncadd.s32 @!p0 $0xFFFFFC00;
	s1 =	simm.s32 @!p0 $0x5  }
0x26: {  	[hbm4b:s6+s4] =	stream.linear.scatter @!p0 [tilespmem:s3], [sflag:$0x4], $0x400, $0x38;
	[tilespmem:$0xC00] =	vst v63  }
0x27: {  	_ =	swait.ge @!p0 [sflag:s1], $0x80  }
0x28: {  	[sflag:s1] =	ssyncset.done @!p0 $0x0  }
0x29: {  	s2 =	sadd.s32 @!p0 $0x1000, s2;
	[sflag:s1] =	ssyncadd.s32 @!p0 $0xFFFFFF80;
	s1 =	simm.s32 @!p0 $0x3  }
0x2a: {  	[hbm4b:s2+s4] =	stream.linear.scatter @!p0 [tilespmem:s5], [sflag:$0x6], $0x80, $0x38;
	[tilespmem:$0xC00] =	vst v63  }
0x2b: {  	_ =	swait.ge @!p0 [sflag:s1], $0x400  }
0x2c: {  	[sflag:s1] =	ssyncset.done @!p0 $0x0  }
0x2d: {  	[sflag:s1] =	ssyncadd.s32 @!p0 $0xFFFFFC00;
	s1 =	simm.s32 @!p0 $0x4  }
0x2e: {  	_ =	swait.ge @!p0 [sflag:s1], $0x400  }
0x2f: {  	[sflag:s1] =	ssyncset.done @!p0 $0x0  }
0x30: {  	[sflag:s1] =	ssyncadd.s32 @!p0 $0xFFFFFC00;
	s1 =	simm.s32 @!p0 $0x6  }
0x31: {  	_ =	swait.ge @!p0 [sflag:s1], $0x80  }
0x32: {  	[sflag:s1] =	ssyncset.done @!p0 $0x0  }
0x33: {  	[sflag:s1] =	ssyncadd.s32 @!p0 $0xFFFFFF80  }
0x34: {  	_ =	sfence.sel $0x180000  }
0x35: {  	[bflag:$0x0] =	sbarrier.arrive $0xFFFF  }
0x36: {  	_ =	strace $0x90000047  }
0x37: {  	s0 =	sadd.s32 @!p0 $0x100000, s0;
	[bflag:$0x2] =	sbarrier.arrive $0xFFFF  }
0x38: {  	[sflag:s0] =	ssyncadd.tile.s32 @!p0 $0x1;
	_ =	shalt  }
.Lfunc_end2:
_tile_overlayer_lowered:
.L_overlay_start_2:
0x39: {  	(tag) =	ssettag $0x2  }
0x3a: {  	s0 =	rddreg [dreg:$0x0];
	s2 =	stileid.u32  }
0x3b: {  	s1 =	rddreg [dreg:$0x1];
	p0 =	sne.s32 s2, $0x0  }
0x3c: {  	s3 =	rddreg [dreg:$0x2];
	[bflag:$0x3] =	sbarrier.arrive $0xFFFF;
	s2 =	simm.s32 @!p0 $0x1C07  }
0x3d: {  	[timem:s3], [sflag:s2] =	dma.local @!p0 [hbm:s0], s1  }
0x3e: {  	s0 =	simm.s32 @!p0 $0x7  }
0x3f: {  	_ =	swait.ge @!p0 [sflag:s0], s1  }
0x40: {  	s1 =	ssub.s32 @!p0 $0x0, s1;
	[sflag:s0] =	ssyncset.done @!p0 $0x0  }
0x41: {  	[sflag:s0] =	ssyncadd.s32 @!p0 s1  }
0x42: {  	[bflag:$0x3] =	sbarrier.arrive $0xFFFF  }
0x43: {  	_ =	shalt  }

</sc_bundles>
